<compile_context>
chip_gen: v7x
topology: tpu7x:2x2x1
jax: 0.10.2.dev20260603
libtpu: 0.0.44.dev20260713+nightly
codegen_flags: <defaults>
</compile_context>

<pallas_src>
import functools

import jax
import jax.numpy as jnp
from jax.experimental import pallas as pl
from jax.experimental.pallas import tpu as pltpu

D_MODEL = 1024
N_EXP = 8
HID = 4096
T = 4096
TB = 512
NB = T // TB
TM = 256
PTOT = 2 * T + N_EXP * TM
NT = PTOT // TM
TN = 1024
NJ = HID // TN


def _routing_body(x_ref, wg_ref, eids_ref, ws_ref, ranks_ref, counts_ref,
                  loss_ref, cum_ref, colsum_ref):
    b = pl.program_id(0)

    @pl.when(b == 0)
    def _():
        cum_ref[...] = jnp.zeros_like(cum_ref)
        colsum_ref[...] = jnp.zeros_like(colsum_ref)

    logits = jax.lax.dot_general(
        x_ref[...], wg_ref[...], (((1,), (1,)), ((), ())),
        preferred_element_type=jnp.float32)
    lane = jax.lax.broadcasted_iota(jnp.int32, (TB, N_EXP), 1)
    m1 = jnp.max(logits, axis=1, keepdims=True)
    e1 = jnp.min(jnp.where(logits == m1, lane, N_EXP), axis=1)
    oh1 = (lane == e1[:, None]).astype(jnp.float32)
    masked = jnp.where(oh1 > 0, -jnp.inf, logits)
    m2 = jnp.max(masked, axis=1, keepdims=True)
    e2 = jnp.min(jnp.where(masked == m2, lane, N_EXP), axis=1)
    oh2 = (lane == e2[:, None]).astype(jnp.float32)

    a = jnp.exp(m2 - m1)
    w1 = 1.0 / (1.0 + a)
    w2 = a / (1.0 + a)

    p = jnp.exp(logits - m1)
    p = p / jnp.sum(p, axis=1, keepdims=True)
    colsum_ref[...] += jnp.sum(p, axis=0)[None, :]

    c = oh1 + oh2
    r = jax.lax.broadcasted_iota(jnp.int32, (TB, TB), 0)
    s = jax.lax.broadcasted_iota(jnp.int32, (TB, TB), 1)
    tri = (r > s).astype(jnp.float32)
    excl = jax.lax.dot_general(tri, c, (((1,), (0,)), ((), ())),
                               preferred_element_type=jnp.float32)
    base = excl + cum_ref[...]
    rank1 = jnp.sum(base * oh1, axis=1)
    rank2 = jnp.sum(base * oh2, axis=1)
    cum_ref[...] += jnp.sum(c, axis=0)[None, :]

    eids_ref[...] = jnp.concatenate([e1[:, None], e2[:, None]], axis=1)
    ws_ref[...] = jnp.concatenate([w1, w2], axis=1)
    ranks_ref[...] = jnp.concatenate(
        [rank1[:, None], rank2[:, None]], axis=1).astype(jnp.int32)

    @pl.when(b == NB - 1)
    def _():
        counts_ref[...] = cum_ref[...].astype(jnp.int32)
        mean = colsum_ref[...] / T
        loss_ref[...] = N_EXP * jnp.sum(mean * mean, keepdims=True)


def _routing(x_flat, Wg):
    return pl.pallas_call(
        _routing_body,
        grid=(NB,),
        in_specs=[
            pl.BlockSpec((TB, D_MODEL), lambda b: (b, 0)),
            pl.BlockSpec((N_EXP, D_MODEL), lambda b: (0, 0)),
        ],
        out_specs=[
            pl.BlockSpec((TB, 2), lambda b: (b, 0)),
            pl.BlockSpec((TB, 2), lambda b: (b, 0)),
            pl.BlockSpec((TB, 2), lambda b: (b, 0)),
            pl.BlockSpec((1, N_EXP), lambda b: (0, 0)),
            pl.BlockSpec((1, 1), lambda b: (0, 0)),
        ],
        out_shape=[
            jax.ShapeDtypeStruct((T, 2), jnp.int32),
            jax.ShapeDtypeStruct((T, 2), jnp.float32),
            jax.ShapeDtypeStruct((T, 2), jnp.int32),
            jax.ShapeDtypeStruct((1, N_EXP), jnp.int32),
            jax.ShapeDtypeStruct((1, 1), jnp.float32),
        ],
        scratch_shapes=[
            pltpu.VMEM((1, N_EXP), jnp.float32),
            pltpu.VMEM((1, N_EXP), jnp.float32),
        ],
    )(x_flat, Wg)


def _gmm_body(eid_ref, act_ref, x_ref, w1_ref, w2_ref, gw_ref, out_ref):
    i = pl.program_id(0)
    j = pl.program_id(1)

    @pl.when(j == 0)
    def _():
        out_ref[...] = jnp.zeros_like(out_ref)

    @pl.when(act_ref[i] != 0)
    def _():
        h = jax.lax.dot_general(
            x_ref[...], w1_ref[0], (((1,), (1,)), ((), ())),
            preferred_element_type=jnp.float32)
        h = h * jax.nn.sigmoid(h)
        out_ref[...] += jax.lax.dot_general(
            h, w2_ref[0], (((1,), (1,)), ((), ())),
            preferred_element_type=jnp.float32)

    @pl.when(j == NJ - 1)
    def _():
        out_ref[...] *= gw_ref[...]


def _gmm(tile_eid, tile_act, xs, W1, W2, gw):
    grid_spec = pltpu.PrefetchScalarGridSpec(
        num_scalar_prefetch=2,
        grid=(NT, NJ),
        in_specs=[
            pl.BlockSpec((TM, D_MODEL), lambda i, j, eid, act: (i, 0)),
            pl.BlockSpec((1, TN, D_MODEL), lambda i, j, eid, act: (eid[i], j, 0)),
            pl.BlockSpec((1, D_MODEL, TN), lambda i, j, eid, act: (eid[i], 0, j)),
            pl.BlockSpec((TM, 1), lambda i, j, eid, act: (i, 0)),
        ],
        out_specs=pl.BlockSpec((TM, D_MODEL), lambda i, j, eid, act: (i, 0)),
    )
    return pl.pallas_call(
        _gmm_body,
        grid_spec=grid_spec,
        out_shape=jax.ShapeDtypeStruct((PTOT, D_MODEL), jnp.float32),
    )(tile_eid, tile_act, xs, W1, W2, gw)


def kernel(x, Wg, W1, W2):
    batch, seq, d = x.shape
    x_flat = x.reshape(-1, d)

    eids, ws, ranks, counts, loss = _routing(x_flat, Wg)
    counts = counts[0]
    padded = ((counts + TM - 1) // TM) * TM
    bounds = jnp.cumsum(padded)
    offsets = bounds - padded
    dest = offsets[eids] + ranks

    flat_dest = dest.reshape(-1)
    tok_ids = jnp.broadcast_to(
        jnp.arange(T, dtype=jnp.int32)[:, None], (T, 2)).reshape(-1)
    src = jnp.zeros((PTOT,), jnp.int32).at[flat_dest].set(tok_ids)
    gw = jnp.zeros((PTOT, 1), jnp.float32).at[flat_dest, 0].set(ws.reshape(-1))

    tile_start = jnp.arange(NT, dtype=jnp.int32) * TM
    tile_eid = jnp.minimum(
        jnp.sum((tile_start[:, None] >= bounds[None, :]).astype(jnp.int32),
                axis=1), N_EXP - 1).astype(jnp.int32)
    tile_act = (tile_start < bounds[N_EXP - 1]).astype(jnp.int32)

    xs = x_flat[src]
    yw = _gmm(tile_eid, tile_act, xs, W1, W2, gw)
    out = yw[dest[:, 0]] + yw[dest[:, 1]]
    return out.reshape(batch, seq, d), loss[0, 0]

# --- scband reference (transcript-rebuilt; emitter-appended) ---
"""Pipeline reference for scband-sparse-mo-e-60533269070475 (READ-ONLY COPY).

The authoritative reference and input builder live on the scoring server;
editing this copy changes nothing except your own understanding.
"""

import jax, jax.numpy as jnp
import numpy as np

D_MODEL = 1024
NUM_EXPERTS = 8
TOP_K = 2
EXPANSION = 4

def setup_inputs(seed: int = 0) -> dict:
    key = jax.random.key(seed)
    k_x, k_g, k_w1, k_w2 = jax.random.split(key, 4)
    x = jax.random.normal(k_x, (2, 2048, D_MODEL), dtype=jnp.float32)
    Wg = jax.random.normal(k_g, (NUM_EXPERTS, D_MODEL), dtype=jnp.float32) / np.sqrt(D_MODEL)
    W1 = jax.random.normal(k_w1, (NUM_EXPERTS, D_MODEL * EXPANSION, D_MODEL), dtype=jnp.float32) / np.sqrt(D_MODEL)
    W2 = jax.random.normal(k_w2, (NUM_EXPERTS, D_MODEL, D_MODEL * EXPANSION), dtype=jnp.float32) / np.sqrt(D_MODEL * EXPANSION)
    return {"x": x, "Wg": Wg, "W1": W1, "W2": W2}

def reference(x, Wg, W1, W2):
    batch_size, seq_len, d_model = x.shape
    x_flat = x.reshape(-1, d_model)
    gate_logits = x_flat @ Wg.T  # [T, E]
    weights, selected_experts = jax.lax.top_k(gate_logits, TOP_K)  # [T, k]
    weights = jax.nn.softmax(weights, axis=-1)
    expert_mask = jax.nn.one_hot(selected_experts, NUM_EXPERTS, dtype=jnp.float32)  # [T, k, E]
    # per-token per-expert combined weight (zero for unselected experts)
    weight_per_expert = (expert_mask * weights[..., None]).sum(axis=1)  # [T, E]
    output = jnp.zeros_like(x_flat)
    for i in range(NUM_EXPERTS):
        h = jax.nn.silu(x_flat @ W1[i].T) @ W2[i].T  # Expert i: w2(silu(w1(x)))
        output = output + h * weight_per_expert[:, i:i + 1]
    gate_probs = jax.nn.softmax(gate_logits, axis=-1)
    load_balancing_loss = NUM_EXPERTS * jnp.sum(jnp.mean(gate_probs, axis=0) ** 2)
    return (output.reshape(batch_size, seq_len, d_model), load_balancing_loss)

if __name__ == "__main__":
    import jax
    _d = setup_inputs()
    print(jax.jit(kernel)(*tuple(_d.values())))

</pallas_src>

<mosaic_0001>
module attributes {stable_mosaic.version = 14 : i64} {
  func.func @_routing_body(%arg0: i32, %arg1: memref<512x1024xf32, #tpu.memory_space<vmem>>, %arg2: memref<8x1024xf32, #tpu.memory_space<vmem>>, %arg3: memref<512x2xi32, #tpu.memory_space<vmem>>, %arg4: memref<512x2xf32, #tpu.memory_space<vmem>>, %arg5: memref<512x2xi32, #tpu.memory_space<vmem>>, %arg6: memref<1x8xi32, #tpu.memory_space<vmem>>, %arg7: memref<1x1xf32, #tpu.memory_space<vmem>>, %arg8: memref<1x8xf32, #tpu.memory_space<vmem>>, %arg9: memref<1x8xf32, #tpu.memory_space<vmem>>) attributes {dimension_semantics = [#tpu.dimension_semantics<arbitrary>], iteration_bounds = array<i64: 8>, scalar_prefetch = 0 : i64, scratch_operands = 2 : i64, tpu.core_type = #tpu.core_type<tc>, window_params = [{transform_indices = @transform_0, window_bounds = array<i64: 512, 1024>}, {pipeline_mode = #tpu.pipeline_mode<synchronous>, transform_indices = @transform_1, window_bounds = array<i64: 8, 1024>}, {transform_indices = @transform_2, window_bounds = array<i64: 512, 2>}, {transform_indices = @transform_3, window_bounds = array<i64: 512, 2>}, {transform_indices = @transform_4, window_bounds = array<i64: 512, 2>}, {pipeline_mode = #tpu.pipeline_mode<synchronous>, transform_indices = @transform_5, window_bounds = array<i64: 1, 8>}, {pipeline_mode = #tpu.pipeline_mode<synchronous>, transform_indices = @transform_6, window_bounds = array<i64: 1, 1>}]} {
    %eq3A = arith.constant 0 : i32
    %eq3A_0 = arith.cmpi eq, %arg0, %eq3A : i32
    %convert_element_type3A = arith.extui %eq3A_0 : i1 to i32
    %cond3A = arith.constant 0 : i32
    %cond3A_1 = arith.cmpi ne, %convert_element_type3A, %cond3A : i32
    scf.if %cond3A_1 {
      %broadcast_in_dim3A_111 = arith.constant 0.000000e+00 : f32
      %broadcast_in_dim3A_112 = vector.broadcast %broadcast_in_dim3A_111 : f32 to vector<1x8xf32>
      %swap3A_113 = arith.constant 0 : index
      %swap3A_114 = arith.constant 0 : index
      %swap3A_115 = vector.load %arg8[%swap3A_113, %swap3A_114] : memref<1x8xf32, #tpu.memory_space<vmem>>, vector<1x8xf32>
      tpu.vector_store %arg8[%swap3A_113, %swap3A_114], %broadcast_in_dim3A_112 {strides = array<i32>} : memref<1x8xf32, #tpu.memory_space<vmem>>, vector<1x8xf32>,
      %broadcast_in_dim3A_116 = arith.constant 0.000000e+00 : f32
      %broadcast_in_dim3A_117 = vector.broadcast %broadcast_in_dim3A_116 : f32 to vector<1x8xf32>
      %swap3A_118 = arith.constant 0 : index
      %swap3A_119 = arith.constant 0 : index
      %swap3A_120 = vector.load %arg9[%swap3A_118, %swap3A_119] : memref<1x8xf32, #tpu.memory_space<vmem>>, vector<1x8xf32>
      tpu.vector_store %arg9[%swap3A_118, %swap3A_119], %broadcast_in_dim3A_117 {strides = array<i32>} : memref<1x8xf32, #tpu.memory_space<vmem>>, vector<1x8xf32>,
    } else {
    }
    %get3A = arith.constant 0 : index
    %get3A_2 = arith.constant 0 : index
    %get3A_3 = vector.load %arg1[%get3A, %get3A_2] : memref<512x1024xf32, #tpu.memory_space<vmem>>, vector<512x1024xf32>
    %get3A_4 = arith.constant 0 : index
    %get3A_5 = arith.constant 0 : index
    %get3A_6 = vector.load %arg2[%get3A_4, %get3A_5] : memref<8x1024xf32, #tpu.memory_space<vmem>>, vector<8x1024xf32>
    %dot_general3A = arith.constant dense<0.000000e+00> : vector<512x8xf32>
    %dot_general3A_7 = tpu.matmul %get3A_3, %get3A_6, %dot_general3A {dimension_numbers = #tpu.dot_dimension_numbers<[1], [1], [0], [0], [0, 0, 1, 0], [], []>, transpose_lhs_hint = false} : vector<512x1024xf32>, vector<8x1024xf32>, vector<512x8xf32> -> vector<512x8xf32>
    %iota3A = tpu.iota {dimensions = array<i32: 1>} : vector<512x8xi32>
    %reduce_max3A = arith.constant dense<0xFF800000> : vector<512xf32>
    %reduce_max3A_8 = vector.multi_reduction <maximumf>, %dot_general3A_7, %reduce_max3A [1] : vector<512x8xf32> to vector<512xf32>
    %broadcast_in_dim3A = vector.shape_cast %reduce_max3A_8 : vector<512xf32> to vector<512x1xf32>
    %eq3A_9 = vector.broadcast %broadcast_in_dim3A : vector<512x1xf32> to vector<512x8xf32>
    %eq3A_10 = arith.cmpf oeq, %dot_general3A_7, %eq3A_9 : vector<512x8xf32>
    %jit3A = arith.constant 8 : i32
    %broadcast_in_dim3A_11 = vector.broadcast %jit3A : i32 to vector<512x8xi32>
    %select_n3A = arith.select %eq3A_10, %iota3A, %broadcast_in_dim3A_11 : vector<512x8xi1>, vector<512x8xi32>
    %reduce_min3A = arith.constant dense<2147483647> : vector<512xi32>
    %reduce_min3A_12 = vector.multi_reduction <minsi>, %select_n3A, %reduce_min3A [1] : vector<512x8xi32> to vector<512xi32>
    %broadcast_in_dim3A_13 = vector.shape_cast %reduce_min3A_12 : vector<512xi32> to vector<512x1xi32>
    %eq3A_14 = vector.broadcast %broadcast_in_dim3A_13 : vector<512x1xi32> to vector<512x8xi32>
    %eq3A_15 = arith.cmpi eq, %iota3A, %eq3A_14 : vector<512x8xi32>
    %convert_element_type3A_16 = arith.extui %eq3A_15 : vector<512x8xi1> to vector<512x8xi32>
    %convert_element_type3A_17 = arith.sitofp %convert_element_type3A_16 : vector<512x8xi32> to vector<512x8xf32>
    %gt3A = arith.constant 0.000000e+00 : f32
    %gt3A_18 = vector.broadcast %gt3A : f32 to vector<512x8xf32>
    %gt3A_19 = arith.cmpf ogt, %convert_element_type3A_17, %gt3A_18 : vector<512x8xf32>
    %jit3A_20 = arith.constant 0xFF800000 : f32
    %broadcast_in_dim3A_21 = vector.broadcast %jit3A_20 : f32 to vector<512x8xf32>
    %select_n3A_22 = arith.select %gt3A_19, %broadcast_in_dim3A_21, %dot_general3A_7 : vector<512x8xi1>, vector<512x8xf32>
    %reduce_max3A_23 = arith.constant dense<0xFF800000> : vector<512xf32>
    %reduce_max3A_24 = vector.multi_reduction <maximumf>, %select_n3A_22, %reduce_max3A_23 [1] : vector<512x8xf32> to vector<512xf32>
    %broadcast_in_dim3A_25 = vector.shape_cast %reduce_max3A_24 : vector<512xf32> to vector<512x1xf32>
    %eq3A_26 = vector.broadcast %broadcast_in_dim3A_25 : vector<512x1xf32> to vector<512x8xf32>
    %eq3A_27 = arith.cmpf oeq, %select_n3A_22, %eq3A_26 : vector<512x8xf32>
    %jit3A_28 = arith.constant 8 : i32
    %broadcast_in_dim3A_29 = vector.broadcast %jit3A_28 : i32 to vector<512x8xi32>
    %select_n3A_30 = arith.select %eq3A_27, %iota3A, %broadcast_in_dim3A_29 : vector<512x8xi1>, vector<512x8xi32>
    %reduce_min3A_31 = arith.constant dense<2147483647> : vector<512xi32>
    %reduce_min3A_32 = vector.multi_reduction <minsi>, %select_n3A_30, %reduce_min3A_31 [1] : vector<512x8xi32> to vector<512xi32>
    %broadcast_in_dim3A_33 = vector.shape_cast %reduce_min3A_32 : vector<512xi32> to vector<512x1xi32>
    %eq3A_34 = vector.broadcast %broadcast_in_dim3A_33 : vector<512x1xi32> to vector<512x8xi32>
    %eq3A_35 = arith.cmpi eq, %iota3A, %eq3A_34 : vector<512x8xi32>
    %convert_element_type3A_36 = arith.extui %eq3A_35 : vector<512x8xi1> to vector<512x8xi32>
    %convert_element_type3A_37 = arith.sitofp %convert_element_type3A_36 : vector<512x8xi32> to vector<512x8xf32>
    %sub3A = arith.subf %broadcast_in_dim3A_25, %broadcast_in_dim3A : vector<512x1xf32>
    %exp3A = math.exp %sub3A : vector<512x1xf32>
    %add3A = arith.constant 1.000000e+00 : f32
    %add3A_38 = vector.broadcast %add3A : f32 to vector<512x1xf32>
    %add3A_39 = arith.addf %add3A_38, %exp3A : vector<512x1xf32>
    %div3A = arith.constant 1.000000e+00 : f32
    %div3A_40 = vector.broadcast %div3A : f32 to vector<512x1xf32>
    %div3A_41 = arith.divf %div3A_40, %add3A_39 : vector<512x1xf32>
    %add3A_42 = arith.constant 1.000000e+00 : f32
    %add3A_43 = vector.broadcast %add3A_42 : f32 to vector<512x1xf32>
    %add3A_44 = arith.addf %add3A_43, %exp3A : vector<512x1xf32>
    %div3A_45 = arith.divf %exp3A, %add3A_44 : vector<512x1xf32>
    %sub3A_46 = vector.broadcast %broadcast_in_dim3A : vector<512x1xf32> to vector<512x8xf32>
    %sub3A_47 = arith.subf %dot_general3A_7, %sub3A_46 : vector<512x8xf32>
    %exp3A_48 = math.exp %sub3A_47 : vector<512x8xf32>
    %reduce_sum3A = arith.constant dense<0.000000e+00> : vector<512xf32>
    %reduce_sum3A_49 = vector.multi_reduction <add>, %exp3A_48, %reduce_sum3A [1] : vector<512x8xf32> to vector<512xf32>
    %broadcast_in_dim3A_50 = vector.shape_cast %reduce_sum3A_49 : vector<512xf32> to vector<512x1xf32>
    %div3A_51 = vector.broadcast %broadcast_in_dim3A_50 : vector<512x1xf32> to vector<512x8xf32>
    %div3A_52 = arith.divf %exp3A_48, %div3A_51 : vector<512x8xf32>
    %get3A_53 = arith.constant 0 : index
    %get3A_54 = arith.constant 0 : index
    %get3A_55 = vector.load %arg9[%get3A_53, %get3A_54] : memref<1x8xf32, #tpu.memory_space<vmem>>, vector<1x8xf32>
    %reduce_sum3A_56 = arith.constant dense<0.000000e+00> : vector<8xf32>
    %reduce_sum3A_57 = vector.multi_reduction <add>, %div3A_52, %reduce_sum3A_56 [0] : vector<512x8xf32> to vector<8xf32>
    %broadcast_in_dim3A_58 = vector.shape_cast %reduce_sum3A_57 : vector<8xf32> to vector<1x8xf32>
    %add3A_59 = arith.addf %get3A_55, %broadcast_in_dim3A_58 : vector<1x8xf32>
    %swap3A = arith.constant 0 : index
    %swap3A_60 = arith.constant 0 : index
    %swap3A_61 = vector.load %arg9[%swap3A, %swap3A_60] : memref<1x8xf32, #tpu.memory_space<vmem>>, vector<1x8xf32>
    tpu.vector_store %arg9[%swap3A, %swap3A_60], %add3A_59 {strides = array<i32>} : memref<1x8xf32, #tpu.memory_space<vmem>>, vector<1x8xf32>,
    %add3A_62 = arith.addf %convert_element_type3A_17, %convert_element_type3A_37 : vector<512x8xf32>
    %iota3A_63 = tpu.iota {dimensions = array<i32: 0>} : vector<512x512xi32>
    %iota3A_64 = tpu.iota {dimensions = array<i32: 1>} : vector<512x512xi32>
    %gt3A_65 = arith.cmpi sgt, %iota3A_63, %iota3A_64 : vector<512x512xi32>
    %convert_element_type3A_66 = arith.extui %gt3A_65 : vector<512x512xi1> to vector<512x512xi32>
    %convert_element_type3A_67 = arith.sitofp %convert_element_type3A_66 : vector<512x512xi32> to vector<512x512xf32>
    %dot_general3A_68 = arith.constant dense<0.000000e+00> : vector<512x8xf32>
    %dot_general3A_69 = tpu.matmul %convert_element_type3A_67, %add3A_62, %dot_general3A_68 {dimension_numbers = #tpu.dot_dimension_numbers<[1], [0], [0], [1], [0, 0, 1, 1], [], []>, transpose_lhs_hint = false} : vector<512x512xf32>, vector<512x8xf32>, vector<512x8xf32> -> vector<512x8xf32>
    %get3A_70 = arith.constant 0 : index
    %get3A_71 = arith.constant 0 : index
    %get3A_72 = vector.load %arg8[%get3A_70, %get3A_71] : memref<1x8xf32, #tpu.memory_space<vmem>>, vector<1x8xf32>
    %add3A_73 = vector.broadcast %get3A_72 : vector<1x8xf32> to vector<512x8xf32>
    %add3A_74 = arith.addf %dot_general3A_69, %add3A_73 : vector<512x8xf32>
    %mul3A = arith.mulf %add3A_74, %convert_element_type3A_17 : vector<512x8xf32>
    %reduce_sum3A_75 = arith.constant dense<0.000000e+00> : vector<512xf32>
    %reduce_sum3A_76 = vector.multi_reduction <add>, %mul3A, %reduce_sum3A_75 [1] : vector<512x8xf32> to vector<512xf32>
    %mul3A_77 = arith.mulf %add3A_74, %convert_element_type3A_37 : vector<512x8xf32>
    %reduce_sum3A_78 = arith.constant dense<0.000000e+00> : vector<512xf32>
    %reduce_sum3A_79 = vector.multi_reduction <add>, %mul3A_77, %reduce_sum3A_78 [1] : vector<512x8xf32> to vector<512xf32>
    %get3A_80 = arith.constant 0 : index
    %get3A_81 = arith.constant 0 : index
    %get3A_82 = vector.load %arg8[%get3A_80, %get3A_81] : memref<1x8xf32, #tpu.memory_space<vmem>>, vector<1x8xf32>
    %reduce_sum3A_83 = arith.constant dense<0.000000e+00> : vector<8xf32>
    %reduce_sum3A_84 = vector.multi_reduction <add>, %add3A_62, %reduce_sum3A_83 [0] : vector<512x8xf32> to vector<8xf32>
    %broadcast_in_dim3A_85 = vector.shape_cast %reduce_sum3A_84 : vector<8xf32> to vector<1x8xf32>
    %add3A_86 = arith.addf %get3A_82, %broadcast_in_dim3A_85 : vector<1x8xf32>
    %swap3A_87 = arith.constant 0 : index
    %swap3A_88 = arith.constant 0 : index
    %swap3A_89 = vector.load %arg8[%swap3A_87, %swap3A_88] : memref<1x8xf32, #tpu.memory_space<vmem>>, vector<1x8xf32>
    tpu.vector_store %arg8[%swap3A_87, %swap3A_88], %add3A_86 {strides = array<i32>} : memref<1x8xf32, #tpu.memory_space<vmem>>, vector<1x8xf32>,
    %broadcast_in_dim3A_90 = vector.shape_cast %reduce_min3A_12 : vector<512xi32> to vector<512x1xi32>
    %broadcast_in_dim3A_91 = vector.shape_cast %reduce_min3A_32 : vector<512xi32> to vector<512x1xi32>
    %concatenate3A = tpu.concatenate %broadcast_in_dim3A_90, %broadcast_in_dim3A_91 in 1 : vector<512x1xi32>, vector<512x1xi32> -> vector<512x2xi32>
    %swap3A_92 = arith.constant 0 : index
    %swap3A_93 = arith.constant 0 : index
    %swap3A_94 = vector.load %arg3[%swap3A_92, %swap3A_93] : memref<512x2xi32, #tpu.memory_space<vmem>>, vector<512x2xi32>
    tpu.vector_store %arg3[%swap3A_92, %swap3A_93], %concatenate3A {strides = array<i32>} : memref<512x2xi32, #tpu.memory_space<vmem>>, vector<512x2xi32>,
    %concatenate3A_95 = tpu.concatenate %div3A_41, %div3A_45 in 1 : vector<512x1xf32>, vector<512x1xf32> -> vector<512x2xf32>
    %swap3A_96 = arith.constant 0 : index
    %swap3A_97 = arith.constant 0 : index
    %swap3A_98 = vector.load %arg4[%swap3A_96, %swap3A_97] : memref<512x2xf32, #tpu.memory_space<vmem>>, vector<512x2xf32>
    tpu.vector_store %arg4[%swap3A_96, %swap3A_97], %concatenate3A_95 {strides = array<i32>} : memref<512x2xf32, #tpu.memory_space<vmem>>, vector<512x2xf32>,
    %broadcast_in_dim3A_99 = vector.shape_cast %reduce_sum3A_76 : vector<512xf32> to vector<512x1xf32>
    %broadcast_in_dim3A_100 = vector.shape_cast %reduce_sum3A_79 : vector<512xf32> to vector<512x1xf32>
    %concatenate3A_101 = tpu.concatenate %broadcast_in_dim3A_99, %broadcast_in_dim3A_100 in 1 : vector<512x1xf32>, vector<512x1xf32> -> vector<512x2xf32>
    %convert_element_type3A_102 = arith.fptosi %concatenate3A_101 : vector<512x2xf32> to vector<512x2xi32>
    %swap3A_103 = arith.constant 0 : index
    %swap3A_104 = arith.constant 0 : index
    %swap3A_105 = vector.load %arg5[%swap3A_103, %swap3A_104] : memref<512x2xi32, #tpu.memory_space<vmem>>, vector<512x2xi32>
    tpu.vector_store %arg5[%swap3A_103, %swap3A_104], %convert_element_type3A_102 {strides = array<i32>} : memref<512x2xi32, #tpu.memory_space<vmem>>, vector<512x2xi32>,
    %eq3A_106 = arith.constant 7 : i32
    %eq3A_107 = arith.cmpi eq, %arg0, %eq3A_106 : i32
    %convert_element_type3A_108 = arith.extui %eq3A_107 : i1 to i32
    %cond3A_109 = arith.constant 0 : i32
    %cond3A_110 = arith.cmpi ne, %convert_element_type3A_108, %cond3A_109 : i32
    scf.if %cond3A_110 {
      %get3A_111 = arith.constant 0 : index
      %get3A_112 = arith.constant 0 : index
      %get3A_113 = vector.load %arg8[%get3A_111, %get3A_112] : memref<1x8xf32, #tpu.memory_space<vmem>>, vector<1x8xf32>
      %convert_element_type3A_114 = arith.fptosi %get3A_113 : vector<1x8xf32> to vector<1x8xi32>
      %swap3A_115 = arith.constant 0 : index
      %swap3A_116 = arith.constant 0 : index
      %swap3A_117 = vector.load %arg6[%swap3A_115, %swap3A_116] : memref<1x8xi32, #tpu.memory_space<vmem>>, vector<1x8xi32>
      tpu.vector_store %arg6[%swap3A_115, %swap3A_116], %convert_element_type3A_114 {strides = array<i32>} : memref<1x8xi32, #tpu.memory_space<vmem>>, vector<1x8xi32>,
      %get3A_118 = arith.constant 0 : index
      %get3A_119 = arith.constant 0 : index
      %get3A_120 = vector.load %arg9[%get3A_118, %get3A_119] : memref<1x8xf32, #tpu.memory_space<vmem>>, vector<1x8xf32>
      %div3A_121 = arith.constant 4.096000e+03 : f32
      %div3A_122 = vector.broadcast %div3A_121 : f32 to vector<1x8xf32>
      %div3A_123 = arith.divf %get3A_120, %div3A_122 : vector<1x8xf32>
      %mul3A_124 = arith.mulf %div3A_123, %div3A_123 : vector<1x8xf32>
      %reduce_sum3A_125 = vector.shape_cast %mul3A_124 : vector<1x8xf32> to vector<1x1x8xf32>
      %reduce_sum3A_126 = arith.constant dense<0.000000e+00> : vector<1xf32>
      %reduce_sum3A_127 = vector.multi_reduction <add>, %reduce_sum3A_125, %reduce_sum3A_126 [1, 2] : vector<1x1x8xf32> to vector<1xf32>
      %reduce_sum3A_128 = vector.shape_cast %reduce_sum3A_127 : vector<1xf32> to vector<1x1x1xf32>
      %reduce_sum3A_129 = vector.extract %reduce_sum3A_128[0, 0, 0] : f32 from vector<1x1x1xf32>
      %broadcast_in_dim3A_130 = vector.broadcast %reduce_sum3A_129 : f32 to vector<1x1xf32>
      %mul3A_131 = arith.constant 8.000000e+00 : f32
      %mul3A_132 = vector.broadcast %mul3A_131 : f32 to vector<1x1xf32>
      %mul3A_133 = arith.mulf %mul3A_132, %broadcast_in_dim3A_130 : vector<1x1xf32>
      %swap3A_134 = arith.constant 0 : index
      %swap3A_135 = arith.constant 0 : index
      %swap3A_136 = vector.load %arg7[%swap3A_134, %swap3A_135] : memref<1x1xf32, #tpu.memory_space<vmem>>, vector<1x1xf32>
      tpu.vector_store %arg7[%swap3A_134, %swap3A_135], %mul3A_133 {strides = array<i32>} : memref<1x1xf32, #tpu.memory_space<vmem>>, vector<1x1xf32>,
    } else {
    }
    return
  }
  func.func @transform_0(%arg0: i32) -> (i32, i32) {
    %c0_i32 = arith.constant 0 : i32
    %c0_i32_0 = arith.constant 0 : i32
    return %arg0, %c0_i32 : i32, i32
  }
  func.func @transform_1(%arg0: i32) -> (i32, i32) {
    %c0_i32 = arith.constant 0 : i32
    %c0_i32_0 = arith.constant 0 : i32
    %c0_i32_1 = arith.constant 0 : i32
    return %c0_i32, %c0_i32_0 : i32, i32
  }
  func.func @transform_2(%arg0: i32) -> (i32, i32) {
    %c0_i32 = arith.constant 0 : i32
    %c0_i32_0 = arith.constant 0 : i32
    return %arg0, %c0_i32 : i32, i32
  }
  func.func @transform_3(%arg0: i32) -> (i32, i32) {
    %c0_i32 = arith.constant 0 : i32
    %c0_i32_0 = arith.constant 0 : i32
    return %arg0, %c0_i32 : i32, i32
  }
  func.func @transform_4(%arg0: i32) -> (i32, i32) {
    %c0_i32 = arith.constant 0 : i32
    %c0_i32_0 = arith.constant 0 : i32
    return %arg0, %c0_i32 : i32, i32
  }
  func.func @transform_5(%arg0: i32) -> (i32, i32) {
    %c0_i32 = arith.constant 0 : i32
    %c0_i32_0 = arith.constant 0 : i32
    %c0_i32_1 = arith.constant 0 : i32
    return %c0_i32, %c0_i32_0 : i32, i32
  }
  func.func @transform_6(%arg0: i32) -> (i32, i32) {
    %c0_i32 = arith.constant 0 : i32
    %c0_i32_0 = arith.constant 0 : i32
    %c0_i32_1 = arith.constant 0 : i32
    return %c0_i32, %c0_i32_0 : i32, i32
  }
}

module attributes {stable_mosaic.version = 14 : i64} {
  func.func @_gmm_body(%arg0: i32, %arg1: i32, %arg2: memref<40xi32, #tpu.memory_space<smem>>, %arg3: memref<40xi32, #tpu.memory_space<smem>>, %arg4: memref<256x1024xf32, #tpu.memory_space<vmem>>, %arg5: memref<1x1024x1024xf32, #tpu.memory_space<vmem>>, %arg6: memref<1x1024x1024xf32, #tpu.memory_space<vmem>>, %arg7: memref<256x1xf32, #tpu.memory_space<vmem>>, %arg8: memref<256x1024xf32, #tpu.memory_space<vmem>>) attributes {dimension_semantics = [#tpu.dimension_semantics<arbitrary>, #tpu.dimension_semantics<arbitrary>], iteration_bounds = array<i64: 40, 4>, scalar_prefetch = 2 : i64, scratch_operands = 0 : i64, tpu.core_type = #tpu.core_type<tc>, window_params = [{transform_indices = @transform_0, window_bounds = array<i64: 256, 1024>}, {transform_indices = @transform_1, window_bounds = array<i64: 1, 1024, 1024>}, {transform_indices = @transform_2, window_bounds = array<i64: 1, 1024, 1024>}, {transform_indices = @transform_3, window_bounds = array<i64: 256, 1>}, {transform_indices = @transform_4, window_bounds = array<i64: 256, 1024>}]} {
    %eq3A = arith.constant 0 : i32
    %eq3A_0 = arith.cmpi eq, %arg1, %eq3A : i32
    %convert_element_type3A = arith.extui %eq3A_0 : i1 to i32
    %cond3A = arith.constant 0 : i32
    %cond3A_1 = arith.cmpi ne, %convert_element_type3A, %cond3A : i32
    scf.if %cond3A_1 {
      %broadcast_in_dim3A = arith.constant 0.000000e+00 : f32
      %broadcast_in_dim3A_12 = vector.broadcast %broadcast_in_dim3A : f32 to vector<256x1024xf32>
      %swap3A = arith.constant 0 : index
      %swap3A_13 = arith.constant 0 : index
      %swap3A_14 = vector.load %arg8[%swap3A, %swap3A_13] : memref<256x1024xf32, #tpu.memory_space<vmem>>, vector<256x1024xf32>
      tpu.vector_store %arg8[%swap3A, %swap3A_13], %broadcast_in_dim3A_12 {strides = array<i32>} : memref<256x1024xf32, #tpu.memory_space<vmem>>, vector<256x1024xf32>,
    } else {
    }
    %get3A = arith.index_cast %arg0 : i32 to index
    %get3A_2 = memref.load %arg3[%get3A] : memref<40xi32, #tpu.memory_space<smem>>
    %ne3A = arith.constant 0 : i32
    %ne3A_3 = arith.cmpi ne, %get3A_2, %ne3A : i32
    %convert_element_type3A_4 = arith.extui %ne3A_3 : i1 to i32
    %cond3A_5 = arith.constant 0 : i32
    %cond3A_6 = arith.cmpi ne, %convert_element_type3A_4, %cond3A_5 : i32
    scf.if %cond3A_6 {
      %get3A_12 = arith.constant 0 : index
      %get3A_13 = arith.constant 0 : index
      %get3A_14 = vector.load %arg4[%get3A_12, %get3A_13] : memref<256x1024xf32, #tpu.memory_space<vmem>>, vector<256x1024xf32>
      %get3A_15 = arith.constant 0 : index
      %get3A_16 = arith.constant 0 : index
      %get3A_17 = arith.constant 0 : index
      %get3A_18 = vector.load %arg5[%get3A_15, %get3A_16, %get3A_17] : memref<1x1024x1024xf32, #tpu.memory_space<vmem>>, vector<1x1024x1024xf32>
      %get3A_19 = vector.shape_cast %get3A_18 : vector<1x1024x1024xf32> to vector<1024x1024xf32>
      %dot_general3A = arith.constant dense<0.000000e+00> : vector<256x1024xf32>
      %dot_general3A_20 = tpu.matmul %get3A_14, %get3A_19, %dot_general3A {dimension_numbers = #tpu.dot_dimension_numbers<[1], [1], [0], [0], [0, 0, 1, 0], [], []>, transpose_lhs_hint = false} : vector<256x1024xf32>, vector<1024x1024xf32>, vector<256x1024xf32> -> vector<256x1024xf32>
      %logistic3A = arith.negf %dot_general3A_20 : vector<256x1024xf32>
      %logistic3A_21 = math.exp %logistic3A : vector<256x1024xf32>
      %logistic3A_22 = arith.constant 1.000000e+00 : f32
      %logistic3A_23 = vector.broadcast %logistic3A_22 : f32 to vector<256x1024xf32>
      %logistic3A_24 = arith.addf %logistic3A_23, %logistic3A_21 : vector<256x1024xf32>
      %logistic3A_25 = arith.divf %logistic3A_23, %logistic3A_24 : vector<256x1024xf32>
      %mul3A = arith.mulf %dot_general3A_20, %logistic3A_25 : vector<256x1024xf32>
      %get3A_26 = arith.constant 0 : index
      %get3A_27 = arith.constant 0 : index
      %get3A_28 = vector.load %arg8[%get3A_26, %get3A_27] : memref<256x1024xf32, #tpu.memory_space<vmem>>, vector<256x1024xf32>
      %get3A_29 = arith.constant 0 : index
      %get3A_30 = arith.constant 0 : index
      %get3A_31 = arith.constant 0 : index
      %get3A_32 = vector.load %arg6[%get3A_29, %get3A_30, %get3A_31] : memref<1x1024x1024xf32, #tpu.memory_space<vmem>>, vector<1x1024x1024xf32>
      %get3A_33 = vector.shape_cast %get3A_32 : vector<1x1024x1024xf32> to vector<1024x1024xf32>
      %dot_general3A_34 = arith.constant dense<0.000000e+00> : vector<256x1024xf32>
      %dot_general3A_35 = tpu.matmul %mul3A, %get3A_33, %dot_general3A_34 {dimension_numbers = #tpu.dot_dimension_numbers<[1], [1], [0], [0], [0, 0, 1, 0], [], []>, transpose_lhs_hint = false} : vector<256x1024xf32>, vector<1024x1024xf32>, vector<256x1024xf32> -> vector<256x1024xf32>
      %add3A = arith.addf %get3A_28, %dot_general3A_35 : vector<256x1024xf32>
      %swap3A = arith.constant 0 : index
      %swap3A_36 = arith.constant 0 : index
      %swap3A_37 = vector.load %arg8[%swap3A, %swap3A_36] : memref<256x1024xf32, #tpu.memory_space<vmem>>, vector<256x1024xf32>
      tpu.vector_store %arg8[%swap3A, %swap3A_36], %add3A {strides = array<i32>} : memref<256x1024xf32, #tpu.memory_space<vmem>>, vector<256x1024xf32>,
    } else {
    }
    %eq3A_7 = arith.constant 3 : i32
    %eq3A_8 = arith.cmpi eq, %arg1, %eq3A_7 : i32
    %convert_element_type3A_9 = arith.extui %eq3A_8 : i1 to i32
    %cond3A_10 = arith.constant 0 : i32
    %cond3A_11 = arith.cmpi ne, %convert_element_type3A_9, %cond3A_10 : i32
    scf.if %cond3A_11 {
      %get3A_12 = arith.constant 0 : index
      %get3A_13 = arith.constant 0 : index
      %get3A_14 = vector.load %arg8[%get3A_12, %get3A_13] : memref<256x1024xf32, #tpu.memory_space<vmem>>, vector<256x1024xf32>
      %get3A_15 = arith.constant 0 : index
      %get3A_16 = arith.constant 0 : index
      %get3A_17 = vector.load %arg7[%get3A_15, %get3A_16] : memref<256x1xf32, #tpu.memory_space<vmem>>, vector<256x1xf32>
      %mul3A = vector.broadcast %get3A_17 : vector<256x1xf32> to vector<256x1024xf32>
      %mul3A_18 = arith.mulf %get3A_14, %mul3A : vector<256x1024xf32>
      %swap3A = arith.constant 0 : index
      %swap3A_19 = arith.constant 0 : index
      %swap3A_20 = vector.load %arg8[%swap3A, %swap3A_19] : memref<256x1024xf32, #tpu.memory_space<vmem>>, vector<256x1024xf32>
      tpu.vector_store %arg8[%swap3A, %swap3A_19], %mul3A_18 {strides = array<i32>} : memref<256x1024xf32, #tpu.memory_space<vmem>>, vector<256x1024xf32>,
    } else {
    }
    return
  }
  func.func @transform_0(%arg0: i32, %arg1: i32, %arg2: memref<40xi32, #tpu.memory_space<smem>>, %arg3: memref<40xi32, #tpu.memory_space<smem>>) -> (i32, i32) {
    %c0_i32 = arith.constant 0 : i32
    %c0_i32_0 = arith.constant 0 : i32
    return %arg0, %c0_i32 : i32, i32
  }
  func.func @transform_1(%arg0: i32, %arg1: i32, %arg2: memref<40xi32, #tpu.memory_space<smem>>, %arg3: memref<40xi32, #tpu.memory_space<smem>>) -> (i32, i32, i32) {
    %get3A = arith.index_cast %arg0 : i32 to index
    %get3A_0 = memref.load %arg2[%get3A] : memref<40xi32, #tpu.memory_space<smem>>
    %c0_i32 = arith.constant 0 : i32
    %c0_i32_1 = arith.constant 0 : i32
    return %get3A_0, %arg1, %c0_i32 : i32, i32, i32
  }
  func.func @transform_2(%arg0: i32, %arg1: i32, %arg2: memref<40xi32, #tpu.memory_space<smem>>, %arg3: memref<40xi32, #tpu.memory_space<smem>>) -> (i32, i32, i32) {
    %get3A = arith.index_cast %arg0 : i32 to index
    %get3A_0 = memref.load %arg2[%get3A] : memref<40xi32, #tpu.memory_space<smem>>
    %c0_i32 = arith.constant 0 : i32
    %c0_i32_1 = arith.constant 0 : i32
    return %get3A_0, %c0_i32, %arg1 : i32, i32, i32
  }
  func.func @transform_3(%arg0: i32, %arg1: i32, %arg2: memref<40xi32, #tpu.memory_space<smem>>, %arg3: memref<40xi32, #tpu.memory_space<smem>>) -> (i32, i32) {
    %c0_i32 = arith.constant 0 : i32
    %c0_i32_0 = arith.constant 0 : i32
    return %arg0, %c0_i32 : i32, i32
  }
  func.func @transform_4(%arg0: i32, %arg1: i32, %arg2: memref<40xi32, #tpu.memory_space<smem>>, %arg3: memref<40xi32, #tpu.memory_space<smem>>) -> (i32, i32) {
    %c0_i32 = arith.constant 0 : i32
    %c0_i32_0 = arith.constant 0 : i32
    return %arg0, %c0_i32 : i32, i32
  }
}

</mosaic_0001>

<sc_bundles>
// kernel: gather_offload_async_start.1
scs
__scs_entry_jumppad:
0x0: {  	(pc) =	sbr.rel $0x88, $3  }
0x1: {  	(tag) =	ssettag $0x0;
	lr =	simm.s32 $0x1  }
0x2: {  	[smem:$0x3F9D] =	sst lr;
	_ =	strace $0xD0000000  }
0x3: {  	_ = 	snop  }
0x4: {  	_ = 	snop  }
0x5: {  	_ = 	snop  }
0x6: {  	_ = 	snop  }
0x7: {  	_ = 	snop  }
__scs_overlays_trampoline_lowered:
0x8: {  	[smem:$0x3FAC] =	sst s0  }
0x9: {  	[smem:$0x3FAD] =	sst s1  }
0xa: {  	[smem:$0x3FAE] =	sst s2  }
0xb: {  	[smem:$0x3FAF] =	sst s3  }
0xc: {  	[smem:$0x3FB0] =	sst s4  }
0xd: {  	[smem:$0x3FB1] =	sst s5  }
0xe: {  	[smem:$0x3FB2] =	sst s6  }
0xf: {  	[smem:$0x3FB3] =	sst s7  }
0x10: {  	[smem:$0x3FB4] =	sst s8  }
0x11: {  	[smem:$0x3FB5] =	sst s9;
	s0 =	simm.s32 @!p0 $0x0  }
0x12: {  	s1 =	sld [smem:$0x3F9B];
	s0 =	simm.s32 @p0 $0x1  }
0x13: {  	[smem:$0x3FB6] =	sst s0;
	s0 =	simm.s32 @!p1 $0x0  }
0x14: {  	s2 =	sld [smem:$0x3F9A];
	s0 =	simm.s32 @p1 $0x1  }
0x15: {  	[smem:$0x3FB7] =	sst s0;
	s0 =	simm.s32 @!p2 $0x0  }
0x16: {  	s3 =	sld [smem:$0x3FDB];
	s0 =	simm.s32 @p2 $0x1  }
0x17: {  	s4 =	simm.s32 $0x1BF5;
	[smem:$0x3FB9] =	sst s0  }
0x18: {  	s0 =	sld [smem:$0x3F9C];
	_ =	swait.ge [sflag:s4], $0x0  }
0x19: {  	s7 =	sld [smem:$0x3F9D]  }
0x1a: {  	s8 =	sadd.s32 $0xFFFFE003, lr  }
0x1b: {  	s9 =	sadd.s32 $0xFFFFFEF7, lr;
	s5 =	simm.s32 $0xFFFFFFFF;
	p2 =	slt.u32 s8, $0xFFFFF086  }
0x1c: {  	p1 =	slt.u32 s9, $0xF7A;
	s5 =	simm.s32 @!p2 $0x0  }
0x1d: {  	s5 =	simm.s32 @p1 $0x1;
	p0 =	seq.s32 s7, s2  }
0x1e: {  	s7 =	smul.u32 @!p0 $0xF7A, s2;
	p2 =	seq.s32 @!p0 s5, $0x0  }
0x1f: {  	s9 =	smul.u32 $0xF7A, s1;
	s8 =	simm.s32 @!p0 $0x1BF5;
	p2 =	por !p2, p0  }
0x20: {  	[sflag:s8] =	ssyncset.s32 @!p0 $0xFFFFF086;
	s6 =	sadd.s32 @!p0 s3, s7;
	s7 =	simm.s32 @!p0 $0x108  }
0x21: {  	s3 =	sadd.s32 s3, s9;
	s6 =	sadd.s32 @!p0 $0x88, s6;
	s7 =	simm.s32 @p2 $0x1082  }
0x22: {  	[simem:s7], [sflag:s8] =	dma.local @!p0 [hbm:s6], $0xF7A  }
0x23: {  	s9 =	sor.u32 $0xD0000000, s2;
	s6 =	simm.s32 $0x108;
	_ =	swait.ge @!p0 [sflag:s8], $0x0  }
0x24: {  	s3 =	sadd.s32 $0x88, s3;
	s6 =	simm.s32 @!p1 $0x1082;
	[sflag:s4] =	ssyncset.s32 $0xFFFFF086  }
0x25: {  	[simem:s6], [sflag:s4] =	dma.local [hbm:s3], $0xF7A  }
0x26: {  	[smem:$0x3F9D] =	sst s1;
	(tag) =	ssettag s2;
	_ =	strace s9  }
0x27: {  	s1 =	sld [smem:$0x3FAD]  }
0x28: {  	s2 =	sld [smem:$0x3FAE]  }
0x29: {  	s4 =	sld [smem:$0x3FB0]  }
0x2a: {  	p0 =	seq.s32 s5, $0x0;
	s5 =	sld [smem:$0x3FB1]  }
0x2b: {  	s6 =	sld [smem:$0x3FB2]  }
0x2c: {  	s7 =	sld [smem:$0x3FB3]  }
0x2d: {  	s3 =	simm.s32 $0x108;
	s8 =	sld [smem:$0x3FB4]  }
0x2e: {  	s3 =	simm.s32 @!p0 $0x1082;
	s9 =	sld [smem:$0x3FB5]  }
0x2f: {  	lr =	sadd.s32 s0, s3;
	s0 =	sld [smem:$0x3FAC]  }
0x30: {  	s3 =	sld [smem:$0x3FAF]  }
0x31: {  	[smem:$0x3FB8] =	sst s10  }
0x32: {  	s10 =	sld [smem:$0x3FB6];
	_ =	sdelay $0x3  }
0x33: {  	p0 =	seq.s32 s10, $0x1;
	s10 =	sld [smem:$0x3FB8];
	_ =	sdelay $0x3  }
0x34: {  	[smem:$0x3FB8] =	sst s10  }
0x35: {  	s10 =	sld [smem:$0x3FB7];
	_ =	sdelay $0x3  }
0x36: {  	p1 =	seq.s32 s10, $0x1;
	s10 =	sld [smem:$0x3FB8];
	_ =	sdelay $0x3  }
0x37: {  	[smem:$0x3FB8] =	sst s10  }
0x38: {  	s10 =	sld [smem:$0x3FB9]  }
0x39: {  	_ = 	snop;
	(pc) =	sbr.ind lr, $3  }
0x3a: {  	_ = 	snop  }
0x3b: {  	_ = 	snop  }
0x3c: {  	p2 =	seq.s32 s10, $0x1;
	s10 =	sld [smem:$0x3FB8]  }
0x3d: {  	_ =	shalt  }
0x3e: {  	_ =	shalt  }
0x3f: {  	_ =	shalt  }
0x40: {  	_ =	shalt  }
0x41: {  	_ =	shalt  }
0x42: {  	_ =	shalt  }
0x43: {  	_ =	shalt  }
0x44: {  	_ =	shalt  }
0x45: {  	_ =	shalt  }
0x46: {  	_ =	shalt  }
0x47: {  	_ =	shalt  }
0x48: {  	_ =	shalt  }
0x49: {  	_ =	shalt  }
0x4a: {  	_ =	shalt  }
0x4b: {  	_ =	shalt  }
0x4c: {  	_ =	shalt  }
0x4d: {  	_ =	shalt  }
0x4e: {  	_ =	shalt  }
0x4f: {  	_ =	shalt  }
0x50: {  	_ =	shalt  }
0x51: {  	_ =	shalt  }
0x52: {  	_ =	shalt  }
0x53: {  	_ =	shalt  }
0x54: {  	_ =	shalt  }
0x55: {  	_ =	shalt  }
0x56: {  	_ =	shalt  }
0x57: {  	_ =	shalt  }
0x58: {  	_ =	shalt  }
0x59: {  	_ =	shalt  }
0x5a: {  	_ =	shalt  }
0x5b: {  	_ =	shalt  }
0x5c: {  	_ =	shalt  }
0x5d: {  	_ =	shalt  }
0x5e: {  	_ =	shalt  }
0x5f: {  	_ =	shalt  }
0x60: {  	_ =	shalt  }
0x61: {  	_ =	shalt  }
0x62: {  	_ =	shalt  }
0x63: {  	_ =	shalt  }
0x64: {  	_ =	shalt  }
0x65: {  	_ =	shalt  }
0x66: {  	_ =	shalt  }
0x67: {  	_ =	shalt  }
0x68: {  	_ =	shalt  }
0x69: {  	_ =	shalt  }
0x6a: {  	_ =	shalt  }
0x6b: {  	_ =	shalt  }
0x6c: {  	_ =	shalt  }
0x6d: {  	_ =	shalt  }
0x6e: {  	_ =	shalt  }
0x6f: {  	_ =	shalt  }
0x70: {  	_ =	shalt  }
0x71: {  	_ =	shalt  }
0x72: {  	_ =	shalt  }
0x73: {  	_ =	shalt  }
0x74: {  	_ =	shalt  }
0x75: {  	_ =	shalt  }
0x76: {  	_ =	shalt  }
0x77: {  	_ =	shalt  }
0x78: {  	_ =	shalt  }
0x79: {  	_ =	shalt  }
0x7a: {  	_ =	shalt  }
0x7b: {  	_ =	shalt  }
0x7c: {  	_ =	shalt  }
0x7d: {  	_ =	shalt  }
0x7e: {  	_ =	shalt  }
0x7f: {  	_ =	shalt  }
0x80: {  	_ =	shalt  }
0x81: {  	_ =	shalt  }
0x82: {  	_ =	shalt  }
0x83: {  	_ =	shalt  }
0x84: {  	_ =	shalt  }
0x85: {  	_ =	shalt  }
0x86: {  	_ =	shalt  }
0x87: {  	_ =	shalt  }
.Lfunc_end0:
.L_simem_size_0:
called_computation.1_lowered:
.L_overlay_start_0:
0x88: {  	s2 =	sld [smem:$0x3FD9]  }
0x89: {  	s3 =	sld [smem:$0x3FFE];
	_ =	sdelay $0x1  }
0x8a: {  	s1 =	srdreg.scid  }
0x8b: {  	s0 =	sand.u32 $0x1, s1  }
0x8c: {  	s16 =	sshll.u32 s0, $0xA;
	s2 =	sadd.s32 s3, s2  }
0x8d: {  	s2 =	sadd.s32 s2, s16  }
0x8e: {  	[smem:$0x3FC4] =	sst s2  }
0x8f: {  	_ = 	snop  }
0x90: {  	(tm) =	ssettm $0x1  }
0x91: {  	s17 =	sld [smem:$0x3FFB];
	_ =	sdelay $0x3  }
0x92: {  	_ =	strace s17  }
0x93: {  	s2 =	sld [smem:$0x3FFC];
	_ =	sdelay $0x3  }
0x94: {  	_ =	strace s2  }
0x95: {  	s2 =	sld [smem:$0x3FFD];
	_ =	sdelay $0x3  }
0x96: {  	_ =	strace s2  }
0x97: {  	_ =	strace $0x8FFFFFFF  }
0x98: {  	s18 =	sld [smem:$0x3FDB];
	_ =	sdelay $0x1  }
0x99: {  	s19 =	simm.s32 $_scs_section_size  }
0x9a: {  	s4 =	simm.s32 $_size__tile_overlayer_lowered;
	s5 =	simm.s32 $_tile_overlayer_lowered  }
0x9b: {  	s22 =	simm.s32 $0x1BFF;
	s21 =	sshll.u32 s5, $0x1;
	s2 =	sadd.s32 s19, s18  }
0x9c: {  	s6 =	simm.s32 $0x0;
	s20 =	sshll.u32 s4, $0x1;
	s4 =	sadd.s32 s21, s2  }
0x9d: {  	[timem:s6], [sflag:s22] =	dma.local [hbm:s4], s20  }
0x9e: {  	_ =	swait.ge [sflag:s22], s20  }
0x9f: {  	s3 =	ssub.s32 $0x0, s20;
	[sflag:s22] =	ssyncset.done $0x0  }
0xa0: {  	[sflag:s22] =	ssyncadd.s32 s3;
	_ =	sdelay $0x1  }
0xa1: {  	s23 =	simm.s32 $0x1B8B  }
0xa2: {  	_ =	swait.ge [sflag:s23], $0x1  }
0xa3: {  	[sflag:s23] =	ssyncset.done $0x0  }
0xa4: {  	s25 =	simm.s32 $0x1B8E;
	s24 =	sld [smem:$0x3FFE];
	[sflag:s23] =	ssyncadd.s32 $0xFFFFFFFF  }
0xa5: {  	s26 =	simm.s32 $execute0_lowered;
	[smem:$0x3FD2] =	sst s25  }
0xa6: {  	s4 =	sshll.u32 s26, $0x1;
	_ =	strace $0x80000046;
	[dreg:$0x1] =	wrdreg $0xFFFFFFFF  }
0xa7: {  	s28 =	simm.s32 $_size_execute0_lowered;
	s2 =	sadd.s32 s2, s4;
	[dreg:$0x0] =	wrdreg $0x0  }
0xa8: {  	s4 =	sshll.u32 s28, $0x1;
	[dreg:$0x2] =	wrdreg s2  }
0xa9: {  	[dreg:$0x3] =	wrdreg s4  }
0xaa: {  	[dreg:$0x4] =	wrdreg $0xC0  }
0xab: {  	_ =	task [dreg:s6], $0x5FFFF  }
0xac: {  	[dreg:$0x1] =	wrdreg $0xFFFFFFFF  }
0xad: {  	[dreg:$0x0] =	wrdreg $0x60  }
0xae: {  	[dreg:$0x2] =	wrdreg s24  }
0xaf: {  	[dreg:$0x3] =	wrdreg $0xA  }
0xb0: {  	_ =	task.clear_ibuf [dreg:s6], $0x4FFFF;
	_ =	strace $0x90000046  }
0xb1: {  	s29 =	simm.s32 $0xA;
	_ =	strace $0x80000048  }
0xb2: {  	_ =	swait.ge [sflag:s29], $0x1  }
0xb3: {  	[sflag:s29] =	ssyncadd.s32 $0xFFFFFFFF  }
0xb4: {  	_ =	strace $0x90000048  }
0xb5: {  	_ =	sfence  }
0xb6: {  	s30 =	sld [smem:$0x0];
	_ =	sdelay $0x2  }
0xb7: {  	s31 =	sshll.u32 s1, $0xD;
	s1 =	sshrl.u32 s1, $0x2  }
0xb8: {  	s3 =	sand.u32 $0x4000, s31;
	s1 =	sadd.s32 s1, s30  }
0xb9: {  	s0 =	sor.u32 s3, s0;
	s1 =	sshll.u32 s1, $0x11  }
0xba: {  	s0 =	sor.u32 s1, s0  }
0xbb: {  	s0 =	sadd.s32 $0x8F2B, s0  }
0xbc: {  	[sflag:s0] =	ssyncadd.remote.s32 $0x1  }
0xbd: {  	_ =	sfence.sel $0xFFFF  }
0xbe: {  	[dreg:$0x0] =	wrdreg $0xFFFFFFFF;
	(pc) =	sbr.abs _section_cstart, $3  }
0xbf: {  	[dreg:$0x1] =	wrdreg $0xFFFFFFFF  }
0xc0: {  	_ =	task.clear_ibuf [dreg:s6], $0x2FFFF;
	_ =	strace $0x9FFFFFFF  }
0xc1: {  	(tm) =	ssettm $0x7FFFFFFF  }
tec
execute0_lowered:
.L_overlay_start_1:
0x0: {  	(tag) =	ssettag $0x1  }
0x1: {  	s2 =	rddreg [dreg:$0x0]  }
0x2: {  	s0 =	rddreg [dreg:$0x1]  }
0x3: {  	s1 =	srdreg.scid;
	_ =	strace $0x80000047;
	s4 =	simm.s32 $0x1  }
0x4: {  	s9 =	simm.s32 $0x3;
	s11 =	simm.s32 $0x0;
	s5 =	sshll.u32 s1, $0x4  }
.Ltmp0:
0x5: {  	s1 =	stileid.u32;
	s5 =	sand.u32 $0x10, s5;
	(pc) =	sbr.rel .LBB2_1-.Ltmp0, $4  }
0x6: {  	p0 =	por $0x0, $0x0;
	s3 =	sadd.s32 $0x140400, s2;
	s6 =	sor.u32 s1, s5  }
0x7: {  	[sflag:s4] =	ssyncpa.u1 $0x0;
	s5 =	simm.s32 $0x2;
	s6 =	sshll.u32 s6, $0x7  }
0x8: {  	s7 =	sadd.s32 $0x140000, s2;
	[sflag:s5] =	ssyncpa.u1 $0x0;
	s8 =	sadd.s32 $0x80, s6  }
0x9: {  	vm0 =	vmmov $0xff;
	vm1 =	vcmask $0x3F20;
	[sflag:s9] =	ssyncpa.u1 $0x0;
	s10 =	smov.u32 s6;
	s9 =	simm.s32 $0x0  }
.LBB2_9:
0xa: {  	p1 =	slt.u32 s9, $0x2;
	s11 =	sadd.s32 $0x20, s10  }
0xb: {  	s13 =	smov.u32 s6;
	s9 =	sadd.s32 $0x1, s9;
	p2 =	slt.s32 s11, s8  }
0xc: {  	s13 =	smov.u32 @p2 s11;
	p2 =	sne.s32 s9, $0x6  }
.Ltmp1:
0xd: {  	_ = 	snop;
	(pc) =	sbr.rel @!p2 .LBB2_10-.Ltmp1, $4  }
0xe: {  	s12 =	simm.s32 @!p1 $0x3  }
0xf: {  	_ =	swait.ge @!p1 [sflag:s12], $0x8000  }
0x10: {  	p0 =	por !p0, !p0;
	[sflag:s12] =	ssyncset.done @!p1 $0x0  }
0x11: {  	s11 =	smov.u32 s10;
	s10 =	smov.u32 s13;
	[sflag:s12] =	ssyncadd.s32 @!p1 $0xFFFF8000  }
.LBB2_1:
0x12: {  	p1 =	sgt.u32 s9, $0x3  }
0x13: {  	s12 =	sxor.u32 @!p1 $0xFFFFFFFF, s9  }
0x14: {  	s13 =	sshrl.u32 @!p1 s10, $0x3;
	s12 =	sshll.u32 @!p1 s12, $0x5  }
0x15: {  	s14 =	sand.u32 @!p1 $0x7, s10;
	s13 =	sadd.s32 @!p1 s7, s13;
	s12 =	sand.u32 @!p1 $0x20, s12  }
0x16: {  	[tilespmem:s12], [sflag:$0x2] =	stream.linear.gather @!p1 [hbm4b:s13+s14], $0x20, $0x38;
	[tilespmem:$0x10040] =	vst v63  }
0x17: {  	p1 =	seq.s32 s9, $0x0  }
0x18: {  	p2 =	seq.s32 @!p1 s9, $0x5  }
0x19: {  	p1 =	por p1, p2  }
.Ltmp2:
0x1a: {  	_ = 	snop;
	(pc) =	sbr.rel @p1 .LBB2_9-.Ltmp2, $1  }
0x1b: {  	_ =	sdelay $0x3  }
0x1c: {  	s12 =	simm.s32 $0x1  }
0x1d: {  	_ =	swait.ge [sflag:s5], $0x20;
	s13 =	sand.u32 $0x1, s9;
	s12 =	simm.s32 @!p0 $0x0  }
0x1e: {  	s15 =	simm.s32 $0x0;
	p2 =	por $0x1, $0x1;
	s12 =	sshll.u32 s12, $0x11  }
0x1f: {  	[sflag:s5] =	ssyncset.done $0x0;
	s13 =	sshll.u32 s13, $0x5;
	s14 =	sshrl.u32 s12, $0x2  }
0x20: {  	[sflag:s5] =	ssyncadd.s32 $0xFFFFFFE0;
	s12 =	sor.u32 $0x40, s14;
	s14 =	sadd.s32 $0x40, s14  }
.LBB2_3:
0x21: {  	s16 =	sshll.u32 s15, $0x4  }
0x22: {  	s16 =	sand.u32 $0x3FFFFFF0, s16  }
0x23: {  	s16 =	sadd.s32 s16, s13  }
0x24: {  	v0 =	vld.msk [tilespmem:s16+$0x0 ss:$0x1], $0xffff;
	_ =	sdelay $0x4  }
0x25: {  	vm2 =	vgt.s32 v0, $0x0  }
0x26: {  	v0 =	vnsel vm2, $0x0, v0  }
0x27: {  	v0 =	vmin.u32 v0, $0x27FF  }
0x28: {  	v1 =	vshll.u32 v0, $0x7;
	v0 =	vshll.u32 v0, $0x4  }
0x29: {  	v1 =	vand.u32 $0x1FFC00, v1;
	v0 =	vand.u32 $0x70, v0  }
0x2a: {  	v0 =	vor.u32 v0, v1  }
0x2b: {  	s31 =	sshll.u32 s15, $0x10  }
0x2c: {  	s15 =	sshra.s32 s31, $0x2  }
0x2d: {  	s15 =	sadd.s32 s15, s14  }
0x2e: {  	s17 =	sadd.s32 $0x0, s15  }
0x2f: {  	[tilespmem:s17], [sflag:$0x1] =	stream.indirect_vreg.gather [hbm:s3], $0x80, v0, vm0, $0x38;
	[tilespmem:$0x10040] =	vst v63  }
0x30: {  	p1 =	por p2, p2;
	s16 =	simm.s32 $0x1000;
	v1 =	vadd.s32 $0x80, v0;
	s17 =	sadd.s32 $0x2000, s17  }
.LBB2_4:
0x31: {  	[tilespmem:s17], [sflag:$0x1] =	stream.indirect_vreg.gather [hbm:s3], $0x80, v0, vm1, $0x38;
	[tilespmem:$0x10040] =	vst v63  }
0x32: {  	v0 =	vmov v1;
	s17 =	smov.u32 s16;
	p2 =	sne.s32 s16, $0x7000  }
.Ltmp3:
0x33: {  	s16 =	sadd.s32 $0x1000, s16;
	(pc) =	sbr.rel @p2 .LBB2_4-.Ltmp3, $4  }
0x34: {  	s17 =	sshra.s32 s17, $0x2  }
0x35: {  	s17 =	sadd.s32 s17, s15  }
0x36: {  	[tilespmem:s17], [sflag:$0x1] =	stream.indirect_vreg.gather [hbm:s3], $0x80, v1, vm0, $0x38;
	[tilespmem:$0x10040] =	vst v63  }
0x37: {  	s17 =	sadd.s32 $0x2000, s17;
	v1 =	vadd.s32 $0x80, v1  }
0x38: {  	_ = 	snop  }
.Ltmp4:
0x39: {  	_ = 	snop;
	(pc) =	sbr.rel @p1 .LBB2_3-.Ltmp4, $3  }
0x3a: {  	_ =	sdelay $0x1  }
0x3b: {  	[tilespmem:s17], [sflag:$0x1] =	stream.indirect_vreg.gather [hbm:s3], $0x80, v0, vm1, $0x38;
	[tilespmem:$0x10040] =	vst v63  }
0x3c: {  	s15 =	simm.s32 $0x1;
	p2 =	por $0x0, $0x0  }
0x3d: {  	s13 =	sshll.u32 s11, $0x7  }
0x3e: {  	s31 =	sshll.u32 s11, $0x4;
	s13 =	sand.u32 $0xFFFFFC00, s13  }
0x3f: {  	_ =	swait.ge [sflag:s4], $0x8000;
	s11 =	sand.u32 $0x70, s31;
	s13 =	sadd.s32 s13, s2  }
0x40: {  	s14 =	sadd.s32 $0x2000, s12;
	[sflag:s4] =	ssyncset.done $0x0;
	s11 =	sadd.s32 s11, s13  }
0x41: {  	[sflag:s4] =	ssyncadd.s32 $0xFFFF8000;
	s13 =	simm.s32 $0x400;
	s15 =	sadd.s32 $0x0, s11  }
.LBB2_7:
0x42: {  	[hbm:s15] =	stream.linear.scatter [tilespmem:s12], [sflag:$0x3], $0x2000, $0x38;
	[tilespmem:$0x10040] =	vst v63  }
0x43: {  	s15 =	smov.u32 s13;
	s12 =	smov.u32 s14;
	p1 =	sne.s32 s13, $0xC00  }
.Ltmp5:
0x44: {  	s13 =	sadd.s32 $0x400, s13;
	(pc) =	sbr.rel @p1 .LBB2_7-.Ltmp5, $2  }
0x45: {  	_ =	sdelay $0x2  }
0x46: {  	s14 =	sadd.s32 $0x2000, s14;
	s15 =	sadd.s32 s15, s11  }
.Ltmp6:
0x47: {  	(pc) =	sbr.rel .LBB2_9-.Ltmp6, $2  }
0x48: {  	_ =	sdelay $0x2  }
0x49: {  	[hbm:s15] =	stream.linear.scatter [tilespmem:s12], [sflag:$0x3], $0x2000, $0x38;
	[tilespmem:$0x10040] =	vst v63  }
.LBB2_10:
0x4a: {  	_ =	sfence.sel $0x180000  }
0x4b: {  	s2 =	simm.s32 $0x2;
	[bflag:$0x0] =	sbarrier.arrive $0xFFFF  }
0x4c: {  	s30 =	simm.s32 $0x3;
	[sflag:s2] =	ssyncpa.u1 $0x1  }
0x4d: {  	s31 =	simm.s32 $0x1;
	[sflag:s30] =	ssyncpa.u1 $0x1  }
0x4e: {  	[sflag:s31] =	ssyncpa.u1 $0x1  }
0x4f: {  	p0 =	sne.s32 s1, $0x0;
	_ =	strace $0x90000047  }
0x50: {  	s0 =	sadd.s32 @!p0 $0x100000, s0;
	[bflag:$0x2] =	sbarrier.arrive $0xFFFF  }
0x51: {  	[sflag:s0] =	ssyncadd.tile.s32 @!p0 $0x1;
	_ =	shalt  }
.Lfunc_end2:
_tile_overlayer_lowered:
.L_overlay_start_2:
0x52: {  	(tag) =	ssettag $0x2  }
0x53: {  	s0 =	rddreg [dreg:$0x0];
	s2 =	stileid.u32  }
0x54: {  	s1 =	rddreg [dreg:$0x1];
	p0 =	sne.s32 s2, $0x0  }
0x55: {  	s3 =	rddreg [dreg:$0x2];
	[bflag:$0x3] =	sbarrier.arrive $0xFFFF;
	s2 =	simm.s32 @!p0 $0x1C01  }
0x56: {  	[timem:s3], [sflag:s2] =	dma.local @!p0 [hbm:s0], s1  }
0x57: {  	s0 =	simm.s32 @!p0 $0x1  }
0x58: {  	_ =	swait.ge @!p0 [sflag:s0], s1  }
0x59: {  	s1 =	ssub.s32 @!p0 $0x0, s1;
	[sflag:s0] =	ssyncset.done @!p0 $0x0  }
0x5a: {  	[sflag:s0] =	ssyncadd.s32 @!p0 s1  }
0x5b: {  	[bflag:$0x3] =	sbarrier.arrive $0xFFFF  }
0x5c: {  	_ =	shalt  }

// kernel: gather_offload_async_start
scs
__scs_entry_jumppad:
0x0: {  	(pc) =	sbr.rel $0x88, $3  }
0x1: {  	(tag) =	ssettag $0x0;
	lr =	simm.s32 $0x1  }
0x2: {  	[smem:$0x3F9D] =	sst lr;
	_ =	strace $0xD0000000  }
0x3: {  	_ = 	snop  }
0x4: {  	_ = 	snop  }
0x5: {  	_ = 	snop  }
0x6: {  	_ = 	snop  }
0x7: {  	_ = 	snop  }
__scs_overlays_trampoline_lowered:
0x8: {  	[smem:$0x3FAC] =	sst s0  }
0x9: {  	[smem:$0x3FAD] =	sst s1  }
0xa: {  	[smem:$0x3FAE] =	sst s2  }
0xb: {  	[smem:$0x3FAF] =	sst s3  }
0xc: {  	[smem:$0x3FB0] =	sst s4  }
0xd: {  	[smem:$0x3FB1] =	sst s5  }
0xe: {  	[smem:$0x3FB2] =	sst s6  }
0xf: {  	[smem:$0x3FB3] =	sst s7  }
0x10: {  	[smem:$0x3FB4] =	sst s8  }
0x11: {  	[smem:$0x3FB5] =	sst s9;
	s0 =	simm.s32 @!p0 $0x0  }
0x12: {  	s1 =	sld [smem:$0x3F9B];
	s0 =	simm.s32 @p0 $0x1  }
0x13: {  	[smem:$0x3FB6] =	sst s0;
	s0 =	simm.s32 @!p1 $0x0  }
0x14: {  	s2 =	sld [smem:$0x3F9A];
	s0 =	simm.s32 @p1 $0x1  }
0x15: {  	[smem:$0x3FB7] =	sst s0;
	s0 =	simm.s32 @!p2 $0x0  }
0x16: {  	s3 =	sld [smem:$0x3FDB];
	s0 =	simm.s32 @p2 $0x1  }
0x17: {  	s4 =	simm.s32 $0x1BF5;
	[smem:$0x3FB9] =	sst s0  }
0x18: {  	s0 =	sld [smem:$0x3F9C];
	_ =	swait.ge [sflag:s4], $0x0  }
0x19: {  	s7 =	sld [smem:$0x3F9D]  }
0x1a: {  	s8 =	sadd.s32 $0xFFFFE003, lr  }
0x1b: {  	s9 =	sadd.s32 $0xFFFFFEF7, lr;
	s5 =	simm.s32 $0xFFFFFFFF;
	p2 =	slt.u32 s8, $0xFFFFF086  }
0x1c: {  	p1 =	slt.u32 s9, $0xF7A;
	s5 =	simm.s32 @!p2 $0x0  }
0x1d: {  	s5 =	simm.s32 @p1 $0x1;
	p0 =	seq.s32 s7, s2  }
0x1e: {  	s7 =	smul.u32 @!p0 $0xF7A, s2;
	p2 =	seq.s32 @!p0 s5, $0x0  }
0x1f: {  	s9 =	smul.u32 $0xF7A, s1;
	s8 =	simm.s32 @!p0 $0x1BF5;
	p2 =	por !p2, p0  }
0x20: {  	[sflag:s8] =	ssyncset.s32 @!p0 $0xFFFFF086;
	s6 =	sadd.s32 @!p0 s3, s7;
	s7 =	simm.s32 @!p0 $0x108  }
0x21: {  	s3 =	sadd.s32 s3, s9;
	s6 =	sadd.s32 @!p0 $0x88, s6;
	s7 =	simm.s32 @p2 $0x1082  }
0x22: {  	[simem:s7], [sflag:s8] =	dma.local @!p0 [hbm:s6], $0xF7A  }
0x23: {  	s9 =	sor.u32 $0xD0000000, s2;
	s6 =	simm.s32 $0x108;
	_ =	swait.ge @!p0 [sflag:s8], $0x0  }
0x24: {  	s3 =	sadd.s32 $0x88, s3;
	s6 =	simm.s32 @!p1 $0x1082;
	[sflag:s4] =	ssyncset.s32 $0xFFFFF086  }
0x25: {  	[simem:s6], [sflag:s4] =	dma.local [hbm:s3], $0xF7A  }
0x26: {  	[smem:$0x3F9D] =	sst s1;
	(tag) =	ssettag s2;
	_ =	strace s9  }
0x27: {  	s1 =	sld [smem:$0x3FAD]  }
0x28: {  	s2 =	sld [smem:$0x3FAE]  }
0x29: {  	s4 =	sld [smem:$0x3FB0]  }
0x2a: {  	p0 =	seq.s32 s5, $0x0;
	s5 =	sld [smem:$0x3FB1]  }
0x2b: {  	s6 =	sld [smem:$0x3FB2]  }
0x2c: {  	s7 =	sld [smem:$0x3FB3]  }
0x2d: {  	s3 =	simm.s32 $0x108;
	s8 =	sld [smem:$0x3FB4]  }
0x2e: {  	s3 =	simm.s32 @!p0 $0x1082;
	s9 =	sld [smem:$0x3FB5]  }
0x2f: {  	lr =	sadd.s32 s0, s3;
	s0 =	sld [smem:$0x3FAC]  }
0x30: {  	s3 =	sld [smem:$0x3FAF]  }
0x31: {  	[smem:$0x3FB8] =	sst s10  }
0x32: {  	s10 =	sld [smem:$0x3FB6];
	_ =	sdelay $0x3  }
0x33: {  	p0 =	seq.s32 s10, $0x1;
	s10 =	sld [smem:$0x3FB8];
	_ =	sdelay $0x3  }
0x34: {  	[smem:$0x3FB8] =	sst s10  }
0x35: {  	s10 =	sld [smem:$0x3FB7];
	_ =	sdelay $0x3  }
0x36: {  	p1 =	seq.s32 s10, $0x1;
	s10 =	sld [smem:$0x3FB8];
	_ =	sdelay $0x3  }
0x37: {  	[smem:$0x3FB8] =	sst s10  }
0x38: {  	s10 =	sld [smem:$0x3FB9]  }
0x39: {  	_ = 	snop;
	(pc) =	sbr.ind lr, $3  }
0x3a: {  	_ = 	snop  }
0x3b: {  	_ = 	snop  }
0x3c: {  	p2 =	seq.s32 s10, $0x1;
	s10 =	sld [smem:$0x3FB8]  }
0x3d: {  	_ =	shalt  }
0x3e: {  	_ =	shalt  }
0x3f: {  	_ =	shalt  }
0x40: {  	_ =	shalt  }
0x41: {  	_ =	shalt  }
0x42: {  	_ =	shalt  }
0x43: {  	_ =	shalt  }
0x44: {  	_ =	shalt  }
0x45: {  	_ =	shalt  }
0x46: {  	_ =	shalt  }
0x47: {  	_ =	shalt  }
0x48: {  	_ =	shalt  }
0x49: {  	_ =	shalt  }
0x4a: {  	_ =	shalt  }
0x4b: {  	_ =	shalt  }
0x4c: {  	_ =	shalt  }
0x4d: {  	_ =	shalt  }
0x4e: {  	_ =	shalt  }
0x4f: {  	_ =	shalt  }
0x50: {  	_ =	shalt  }
0x51: {  	_ =	shalt  }
0x52: {  	_ =	shalt  }
0x53: {  	_ =	shalt  }
0x54: {  	_ =	shalt  }
0x55: {  	_ =	shalt  }
0x56: {  	_ =	shalt  }
0x57: {  	_ =	shalt  }
0x58: {  	_ =	shalt  }
0x59: {  	_ =	shalt  }
0x5a: {  	_ =	shalt  }
0x5b: {  	_ =	shalt  }
0x5c: {  	_ =	shalt  }
0x5d: {  	_ =	shalt  }
0x5e: {  	_ =	shalt  }
0x5f: {  	_ =	shalt  }
0x60: {  	_ =	shalt  }
0x61: {  	_ =	shalt  }
0x62: {  	_ =	shalt  }
0x63: {  	_ =	shalt  }
0x64: {  	_ =	shalt  }
0x65: {  	_ =	shalt  }
0x66: {  	_ =	shalt  }
0x67: {  	_ =	shalt  }
0x68: {  	_ =	shalt  }
0x69: {  	_ =	shalt  }
0x6a: {  	_ =	shalt  }
0x6b: {  	_ =	shalt  }
0x6c: {  	_ =	shalt  }
0x6d: {  	_ =	shalt  }
0x6e: {  	_ =	shalt  }
0x6f: {  	_ =	shalt  }
0x70: {  	_ =	shalt  }
0x71: {  	_ =	shalt  }
0x72: {  	_ =	shalt  }
0x73: {  	_ =	shalt  }
0x74: {  	_ =	shalt  }
0x75: {  	_ =	shalt  }
0x76: {  	_ =	shalt  }
0x77: {  	_ =	shalt  }
0x78: {  	_ =	shalt  }
0x79: {  	_ =	shalt  }
0x7a: {  	_ =	shalt  }
0x7b: {  	_ =	shalt  }
0x7c: {  	_ =	shalt  }
0x7d: {  	_ =	shalt  }
0x7e: {  	_ =	shalt  }
0x7f: {  	_ =	shalt  }
0x80: {  	_ =	shalt  }
0x81: {  	_ =	shalt  }
0x82: {  	_ =	shalt  }
0x83: {  	_ =	shalt  }
0x84: {  	_ =	shalt  }
0x85: {  	_ =	shalt  }
0x86: {  	_ =	shalt  }
0x87: {  	_ =	shalt  }
.Lfunc_end0:
.L_simem_size_0:
called_computation_lowered:
.L_overlay_start_0:
0x88: {  	s2 =	sld [smem:$0x3FD9]  }
0x89: {  	s3 =	sld [smem:$0x3FFE];
	_ =	sdelay $0x1  }
0x8a: {  	s1 =	srdreg.scid  }
0x8b: {  	s0 =	sand.u32 $0x1, s1  }
0x8c: {  	s15 =	sshll.u32 s0, $0xA;
	s2 =	sadd.s32 s3, s2  }
0x8d: {  	s2 =	sadd.s32 s2, s15  }
0x8e: {  	[smem:$0x3FC4] =	sst s2  }
0x8f: {  	_ = 	snop  }
0x90: {  	s2 =	sld [smem:$0x3FD0];
	_ =	sdelay $0x2  }
0x91: {  	s16 =	simm.s32 $0xB;
	s4 =	simm.s32 $0x10  }
0x92: {  	[smem:s4], [sflag:s16] =	dma.local [hbm:s2], $0x1  }
0x93: {  	_ =	swait.eq [sflag:s16], $0x1  }
0x94: {  	[sflag:s16] =	ssyncset.done $0x0  }
0x95: {  	[sflag:s16] =	ssyncadd.s32 $0xFFFFFFFF  }
0x96: {  	s17 =	sld [smem:$0x10];
	(tm) =	ssettm $0x1  }
0x97: {  	s18 =	sld [smem:$0x3FFB];
	_ =	sdelay $0x3  }
0x98: {  	_ =	strace s18  }
0x99: {  	s2 =	sld [smem:$0x3FFC];
	_ =	sdelay $0x3  }
0x9a: {  	_ =	strace s2  }
0x9b: {  	s2 =	sld [smem:$0x3FFD];
	_ =	sdelay $0x3  }
0x9c: {  	_ =	strace s2  }
0x9d: {  	_ =	strace $0x8FFFFFFF  }
0x9e: {  	s19 =	sld [smem:$0x3FDB];
	_ =	sdelay $0x1  }
0x9f: {  	s20 =	simm.s32 $_scs_section_size  }
0xa0: {  	s5 =	simm.s32 $_size__tile_overlayer_lowered;
	s6 =	simm.s32 $_tile_overlayer_lowered  }
0xa1: {  	s7 =	simm.s32 $0x1BFF;
	s21 =	sshll.u32 s6, $0x1;
	s4 =	sadd.s32 s20, s19  }
0xa2: {  	s22 =	simm.s32 $0x0;
	s5 =	sshll.u32 s5, $0x1;
	s6 =	sadd.s32 s21, s4  }
0xa3: {  	[timem:s22], [sflag:s7] =	dma.local [hbm:s6], s5  }
0xa4: {  	_ =	swait.ge [sflag:s7], s5  }
0xa5: {  	s5 =	ssub.s32 $0x0, s5;
	[sflag:s7] =	ssyncset.done $0x0  }
0xa6: {  	[sflag:s7] =	ssyncadd.s32 s5;
	_ =	sdelay $0x1  }
0xa7: {  	s23 =	simm.s32 $0x1B8B  }
0xa8: {  	_ =	swait.ge [sflag:s23], $0x1  }
0xa9: {  	[sflag:s23] =	ssyncset.done $0x0  }
0xaa: {  	[sflag:s23] =	ssyncadd.s32 $0xFFFFFFFF  }
0xab: {  	s5 =	sld [smem:$0x0]  }
0xac: {  	s6 =	sand.u32 $0xFFFFFFFE, s1  }
0xad: {  	p0 =	sne.s32 s1, s6  }
0xae: {  	s6 =	sshll.u32 @p0 s6, $0xE  }
0xaf: {  	s6 =	sadd.s32 @p0 $0x11B8D, s6;
	s7 =	sshll.u32 @p0 s5, $0x11  }
0xb0: {  	s6 =	sor.u32 @p0 s7, s6  }
0xb1: {  	[sflag:s6] =	ssyncadd.remote.s32 @p0 $0x1;
	_ =	sdelay $0x1  }
0xb2: {  	s6 =	simm.s32 @p0 $0x1B8D  }
0xb3: {  	_ =	swait.eq @p0 [sflag:s6], $0x1  }
0xb4: {  	[sflag:s6] =	ssyncadd.s32 @p0 $0xFFFFFFFF  }
0xb5: {  	s7 =	sshll.u32 @!p0 s1, $0xE  }
0xb6: {  	s7 =	sor.u32 @!p0 $0x4000, s7;
	s6 =	simm.s32 @!p0 $0x1B8D  }
0xb7: {  	s5 =	sshll.u32 @!p0 s5, $0x11;
	s7 =	sadd.s32 @!p0 $0x11B8D, s7;
	_ =	swait.eq @!p0 [sflag:s6], $0x1  }
0xb8: {  	s5 =	sor.u32 @!p0 s5, s7;
	[sflag:s6] =	ssyncadd.s32 @!p0 $0xFFFFFFFF  }
0xb9: {  	s25 =	simm.s32 $0x1B8E;
	s24 =	sld [smem:$0x3FFE];
	[sflag:s5] =	ssyncadd.remote.s32 @!p0 $0x1  }
0xba: {  	s26 =	simm.s32 $execute0_lowered;
	[smem:$0x3FD2] =	sst s25  }
0xbb: {  	s6 =	sshll.u32 s26, $0x1;
	_ =	strace $0x80000049;
	[dreg:$0x1] =	wrdreg $0xFFFFFFFF  }
0xbc: {  	s28 =	simm.s32 $_size_execute0_lowered;
	s4 =	sadd.s32 s4, s6;
	[dreg:$0x0] =	wrdreg $0x0  }
0xbd: {  	s6 =	sshll.u32 s28, $0x1;
	[dreg:$0x2] =	wrdreg s4  }
0xbe: {  	[dreg:$0x3] =	wrdreg s6  }
0xbf: {  	[dreg:$0x4] =	wrdreg $0xC0  }
0xc0: {  	_ =	task [dreg:s22], $0x5FFFF  }
0xc1: {  	[dreg:$0x1] =	wrdreg $0xFFFFFFFF  }
0xc2: {  	[dreg:$0x0] =	wrdreg $0x60  }
0xc3: {  	[dreg:$0x2] =	wrdreg s24  }
0xc4: {  	[dreg:$0x3] =	wrdreg s17  }
0xc5: {  	[dreg:$0x4] =	wrdreg $0x9  }
0xc6: {  	_ =	task.clear_ibuf [dreg:s22], $0x5FFFF;
	_ =	strace $0x90000049  }
0xc7: {  	s29 =	simm.s32 $0x9;
	_ =	strace $0x8000004B  }
0xc8: {  	_ =	swait.ge [sflag:s29], $0x1  }
0xc9: {  	[sflag:s29] =	ssyncadd.s32 $0xFFFFFFFF  }
0xca: {  	_ =	strace $0x9000004B  }
0xcb: {  	_ =	sfence  }
0xcc: {  	s30 =	sld [smem:$0x0];
	_ =	sdelay $0x2  }
0xcd: {  	s31 =	sshll.u32 s1, $0xD;
	s1 =	sshrl.u32 s1, $0x2  }
0xce: {  	s4 =	sand.u32 $0x4000, s31;
	s1 =	sadd.s32 s1, s30  }
0xcf: {  	s0 =	sor.u32 s4, s0;
	s1 =	sshll.u32 s1, $0x11  }
0xd0: {  	s0 =	sor.u32 s1, s0  }
0xd1: {  	s0 =	sadd.s32 $0x8F2B, s0  }
0xd2: {  	[sflag:s0] =	ssyncadd.remote.s32 $0x1  }
0xd3: {  	_ =	sfence.sel $0xFFFF  }
0xd4: {  	[dreg:$0x0] =	wrdreg $0xFFFFFFFF;
	(pc) =	sbr.abs _section_cstart, $3  }
0xd5: {  	[dreg:$0x1] =	wrdreg $0xFFFFFFFF  }
0xd6: {  	_ =	task.clear_ibuf [dreg:s22], $0x2FFFF;
	_ =	strace $0x9FFFFFFF  }
0xd7: {  	(tm) =	ssettm $0x7FFFFFFF  }
tec
execute0_lowered:
.L_overlay_start_1:
0x0: {  	(tag) =	ssettag $0x1  }
0x1: {  	s7 =	rddreg [dreg:$0x0]  }
0x2: {  	s2 =	rddreg [dreg:$0x1]  }
0x3: {  	s0 =	rddreg [dreg:$0x2]  }
0x4: {  	s1 =	srdreg.scid;
	_ =	strace $0x8000004A;
	s4 =	simm.s32 $0x1  }
0x5: {  	s9 =	simm.s32 $0x3;
	s11 =	simm.s32 $0x0;
	s5 =	sshll.u32 s1, $0x4  }
.Ltmp0:
0x6: {  	s1 =	stileid.u32;
	s5 =	sand.u32 $0x10, s5;
	(pc) =	sbr.rel .LBB2_1-.Ltmp0, $4  }
0x7: {  	p0 =	por $0x0, $0x0;
	s3 =	sadd.s32 $0x140400, s7;
	s6 =	sor.u32 s1, s5  }
0x8: {  	[sflag:s4] =	ssyncpa.u1 $0x0;
	s5 =	simm.s32 $0x2;
	s6 =	sshll.u32 s6, $0x7  }
0x9: {  	s7 =	sadd.s32 $0x140200, s7;
	[sflag:s5] =	ssyncpa.u1 $0x0;
	s8 =	sadd.s32 $0x80, s6  }
0xa: {  	vm0 =	vmmov $0xff;
	vm1 =	vcmask $0x3F20;
	[sflag:s9] =	ssyncpa.u1 $0x0;
	s10 =	smov.u32 s6;
	s9 =	simm.s32 $0x0  }
.LBB2_9:
0xb: {  	p1 =	slt.u32 s9, $0x2;
	s11 =	sadd.s32 $0x20, s10  }
0xc: {  	s13 =	smov.u32 s6;
	s9 =	sadd.s32 $0x1, s9;
	p2 =	slt.s32 s11, s8  }
0xd: {  	s13 =	smov.u32 @p2 s11;
	p2 =	sne.s32 s9, $0x6  }
.Ltmp1:
0xe: {  	_ = 	snop;
	(pc) =	sbr.rel @!p2 .LBB2_10-.Ltmp1, $4  }
0xf: {  	s12 =	simm.s32 @!p1 $0x3  }
0x10: {  	_ =	swait.ge @!p1 [sflag:s12], $0x8000  }
0x11: {  	p0 =	por !p0, !p0;
	[sflag:s12] =	ssyncset.done @!p1 $0x0  }
0x12: {  	s11 =	smov.u32 s10;
	s10 =	smov.u32 s13;
	[sflag:s12] =	ssyncadd.s32 @!p1 $0xFFFF8000  }
.LBB2_1:
0x13: {  	p1 =	sgt.u32 s9, $0x3  }
0x14: {  	s12 =	sxor.u32 @!p1 $0xFFFFFFFF, s9  }
0x15: {  	s13 =	sshrl.u32 @!p1 s10, $0x3;
	s12 =	sshll.u32 @!p1 s12, $0x5  }
0x16: {  	s14 =	sand.u32 @!p1 $0x7, s10;
	s13 =	sadd.s32 @!p1 s7, s13;
	s12 =	sand.u32 @!p1 $0x20, s12  }
0x17: {  	[tilespmem:s12], [sflag:$0x2] =	stream.linear.gather @!p1 [hbm4b:s13+s14], $0x20, $0x38;
	[tilespmem:$0x10040] =	vst v63  }
0x18: {  	p1 =	seq.s32 s9, $0x0  }
0x19: {  	p2 =	seq.s32 @!p1 s9, $0x5  }
0x1a: {  	p1 =	por p1, p2  }
.Ltmp2:
0x1b: {  	_ = 	snop;
	(pc) =	sbr.rel @p1 .LBB2_9-.Ltmp2, $1  }
0x1c: {  	_ =	sdelay $0x3  }
0x1d: {  	s12 =	simm.s32 $0x1  }
0x1e: {  	_ =	swait.ge [sflag:s5], $0x20;
	s13 =	sand.u32 $0x1, s9;
	s12 =	simm.s32 @!p0 $0x0  }
0x1f: {  	s15 =	simm.s32 $0x0;
	p2 =	por $0x1, $0x1;
	s12 =	sshll.u32 s12, $0x11  }
0x20: {  	[sflag:s5] =	ssyncset.done $0x0;
	s13 =	sshll.u32 s13, $0x5;
	s14 =	sshrl.u32 s12, $0x2  }
0x21: {  	[sflag:s5] =	ssyncadd.s32 $0xFFFFFFE0;
	s12 =	sor.u32 $0x40, s14;
	s14 =	sadd.s32 $0x40, s14  }
.LBB2_3:
0x22: {  	s16 =	sshll.u32 s15, $0x4  }
0x23: {  	s16 =	sand.u32 $0x3FFFFFF0, s16  }
0x24: {  	s16 =	sadd.s32 s16, s13  }
0x25: {  	v0 =	vld.msk [tilespmem:s16+$0x0 ss:$0x1], $0xffff;
	_ =	sdelay $0x4  }
0x26: {  	vm2 =	vgt.s32 v0, $0x0  }
0x27: {  	v0 =	vnsel vm2, $0x0, v0  }
0x28: {  	v0 =	vmin.u32 v0, $0x27FF  }
0x29: {  	v1 =	vshll.u32 v0, $0x7;
	v0 =	vshll.u32 v0, $0x4  }
0x2a: {  	v1 =	vand.u32 $0x1FFC00, v1;
	v0 =	vand.u32 $0x70, v0  }
0x2b: {  	v0 =	vor.u32 v0, v1  }
0x2c: {  	s31 =	sshll.u32 s15, $0x10  }
0x2d: {  	s15 =	sshra.s32 s31, $0x2  }
0x2e: {  	s15 =	sadd.s32 s15, s14  }
0x2f: {  	s17 =	sadd.s32 $0x0, s15  }
0x30: {  	[tilespmem:s17], [sflag:$0x1] =	stream.indirect_vreg.gather [hbm:s3], $0x80, v0, vm0, $0x38;
	[tilespmem:$0x10040] =	vst v63  }
0x31: {  	p1 =	por p2, p2;
	s16 =	simm.s32 $0x1000;
	v1 =	vadd.s32 $0x80, v0;
	s17 =	sadd.s32 $0x2000, s17  }
.LBB2_4:
0x32: {  	[tilespmem:s17], [sflag:$0x1] =	stream.indirect_vreg.gather [hbm:s3], $0x80, v0, vm1, $0x38;
	[tilespmem:$0x10040] =	vst v63  }
0x33: {  	v0 =	vmov v1;
	s17 =	smov.u32 s16;
	p2 =	sne.s32 s16, $0x7000  }
.Ltmp3:
0x34: {  	s16 =	sadd.s32 $0x1000, s16;
	(pc) =	sbr.rel @p2 .LBB2_4-.Ltmp3, $4  }
0x35: {  	s17 =	sshra.s32 s17, $0x2  }
0x36: {  	s17 =	sadd.s32 s17, s15  }
0x37: {  	[tilespmem:s17], [sflag:$0x1] =	stream.indirect_vreg.gather [hbm:s3], $0x80, v1, vm0, $0x38;
	[tilespmem:$0x10040] =	vst v63  }
0x38: {  	s17 =	sadd.s32 $0x2000, s17;
	v1 =	vadd.s32 $0x80, v1  }
0x39: {  	_ = 	snop  }
.Ltmp4:
0x3a: {  	_ = 	snop;
	(pc) =	sbr.rel @p1 .LBB2_3-.Ltmp4, $3  }
0x3b: {  	_ =	sdelay $0x1  }
0x3c: {  	[tilespmem:s17], [sflag:$0x1] =	stream.indirect_vreg.gather [hbm:s3], $0x80, v0, vm1, $0x38;
	[tilespmem:$0x10040] =	vst v63  }
0x3d: {  	s15 =	simm.s32 $0x1;
	p2 =	por $0x0, $0x0  }
0x3e: {  	s13 =	sshll.u32 s11, $0x7  }
0x3f: {  	s31 =	sshll.u32 s11, $0x4;
	s13 =	sand.u32 $0xFFFFFC00, s13  }
0x40: {  	_ =	swait.ge [sflag:s4], $0x8000;
	s11 =	sand.u32 $0x70, s31;
	s13 =	sadd.s32 s13, s2  }
0x41: {  	s14 =	sadd.s32 $0x2000, s12;
	[sflag:s4] =	ssyncset.done $0x0;
	s11 =	sadd.s32 s11, s13  }
0x42: {  	[sflag:s4] =	ssyncadd.s32 $0xFFFF8000;
	s13 =	simm.s32 $0x400;
	s15 =	sadd.s32 $0x0, s11  }
.LBB2_7:
0x43: {  	[hbm:s15] =	stream.linear.scatter [tilespmem:s12], [sflag:$0x3], $0x2000, $0x38;
	[tilespmem:$0x10040] =	vst v63  }
0x44: {  	s15 =	smov.u32 s13;
	s12 =	smov.u32 s14;
	p1 =	sne.s32 s13, $0xC00  }
.Ltmp5:
0x45: {  	s13 =	sadd.s32 $0x400, s13;
	(pc) =	sbr.rel @p1 .LBB2_7-.Ltmp5, $2  }
0x46: {  	_ =	sdelay $0x2  }
0x47: {  	s14 =	sadd.s32 $0x2000, s14;
	s15 =	sadd.s32 s15, s11  }
.Ltmp6:
0x48: {  	(pc) =	sbr.rel .LBB2_9-.Ltmp6, $2  }
0x49: {  	_ =	sdelay $0x2  }
0x4a: {  	[hbm:s15] =	stream.linear.scatter [tilespmem:s12], [sflag:$0x3], $0x2000, $0x38;
	[tilespmem:$0x10040] =	vst v63  }
.LBB2_10:
0x4b: {  	_ =	sfence.sel $0x180000  }
0x4c: {  	s2 =	simm.s32 $0x2;
	[bflag:$0x0] =	sbarrier.arrive $0xFFFF  }
0x4d: {  	s30 =	simm.s32 $0x3;
	[sflag:s2] =	ssyncpa.u1 $0x1  }
0x4e: {  	s31 =	simm.s32 $0x1;
	[sflag:s30] =	ssyncpa.u1 $0x1  }
0x4f: {  	[sflag:s31] =	ssyncpa.u1 $0x1  }
0x50: {  	p0 =	sne.s32 s1, $0x0;
	_ =	strace $0x9000004A  }
0x51: {  	s0 =	sadd.s32 @!p0 $0x100000, s0;
	[bflag:$0x2] =	sbarrier.arrive $0xFFFF  }
0x52: {  	[sflag:s0] =	ssyncadd.tile.s32 @!p0 $0x1;
	_ =	shalt  }
.Lfunc_end2:
_tile_overlayer_lowered:
.L_overlay_start_2:
0x53: {  	(tag) =	ssettag $0x2  }
0x54: {  	s0 =	rddreg [dreg:$0x0];
	s2 =	stileid.u32  }
0x55: {  	s1 =	rddreg [dreg:$0x1];
	p0 =	sne.s32 s2, $0x0  }
0x56: {  	s3 =	rddreg [dreg:$0x2];
	[bflag:$0x3] =	sbarrier.arrive $0xFFFF;
	s2 =	simm.s32 @!p0 $0x1C01  }
0x57: {  	[timem:s3], [sflag:s2] =	dma.local @!p0 [hbm:s0], s1  }
0x58: {  	s0 =	simm.s32 @!p0 $0x1  }
0x59: {  	_ =	swait.ge @!p0 [sflag:s0], s1  }
0x5a: {  	s1 =	ssub.s32 @!p0 $0x0, s1;
	[sflag:s0] =	ssyncset.done @!p0 $0x0  }
0x5b: {  	[sflag:s0] =	ssyncadd.s32 @!p0 s1  }
0x5c: {  	[bflag:$0x3] =	sbarrier.arrive $0xFFFF  }
0x5d: {  	_ =	shalt  }

</sc_bundles>
